<compile_context>
chip_gen: v7x
topology: tpu7x:2x2x1
jax: 0.10.2.dev20260603
libtpu: 0.0.44.dev20260713+nightly
codegen_flags: <defaults>
</compile_context>

<pallas_src>
import functools

import jax
import jax.numpy as jnp
from jax import lax
from jax.experimental import pallas as pl
from jax.experimental.pallas import tpu as pltpu
from jax.experimental.pallas import tpu_sc as plsc

B = 4
S = 2048
H = 128
L = 16
NVPR = H // L
NC = 2
NS = 16
NW = NC * NS
TOK = B * S
TPW = TOK // NW
EPS = 1e-5


def _body(idx_hbm, tt_hbm, word_hbm, pos_hbm, type_hbm, gb_hbm, out_hbm,
          idx_v, tt_v, rows_v, pos_v, type_v, gb_v, sem):
    c = lax.axis_index("c")
    s = lax.axis_index("s")
    wid = s * NC + c
    base = wid * TPW
    pos_base = lax.rem(base, S)

    pltpu.sync_copy(idx_hbm.at[pl.ds(base, TPW)], idx_v)
    pltpu.sync_copy(tt_hbm.at[pl.ds(base, TPW)], tt_v)

    cp_w = pltpu.async_copy(word_hbm.at[idx_v], rows_v, sem)
    cp_t = pltpu.async_copy(type_hbm.at[tt_v], type_v, sem)
    pltpu.sync_copy(pos_hbm.at[pl.ds(pos_base, TPW)], pos_v)
    pltpu.sync_copy(gb_hbm, gb_v)
    cp_w.wait()
    cp_t.wait()

    gamma = [gb_v[0, pl.ds(j * L, L)] for j in range(NVPR)]
    beta = [gb_v[1, pl.ds(j * L, L)] for j in range(NVPR)]
    inv_h = 1.0 / H

    def token_body(i, carry):
        v = []
        for j in range(NVPR):
            sl = pl.ds(j * L, L)
            v.append(rows_v[i, sl] + pos_v[i, sl] + type_v[i, sl])
        su = v[0]
        sq = v[0] * v[0]
        for j in range(1, NVPR):
            su = su + v[j]
            sq = sq + v[j] * v[j]
        tot = jnp.sum(su)
        tot2 = jnp.sum(sq)
        mean = tot * inv_h
        var = tot2 * inv_h - mean * mean
        x = jnp.broadcast_to(var + EPS, (L,))
        bits = lax.bitcast_convert_type(x, jnp.int32)
        y = lax.bitcast_convert_type(0x5F3759DF - (bits >> 1), jnp.float32)
        for _ in range(3):
            y = y * (1.5 - 0.5 * x * y * y)
        m = jnp.broadcast_to(mean, (L,))
        for j in range(NVPR):
            rows_v[i, pl.ds(j * L, L)] = (v[j] - m) * y * gamma[j] + beta[j]
        return carry

    lax.fori_loop(0, TPW, token_body, 0)
    pltpu.sync_copy(rows_v, out_hbm.at[pl.ds(base, TPW)])


@functools.partial(jax.jit, static_argnames=())
def _run(idx, tt, word_table, pos_table, type_table, gb):
    mesh = plsc.VectorSubcoreMesh(core_axis_name="c", subcore_axis_name="s")
    fn = functools.partial(
        pl.kernel,
        mesh=mesh,
        out_type=jax.ShapeDtypeStruct((TOK, H), jnp.float32),
        scratch_types=[
            pltpu.VMEM((TPW,), jnp.int32),
            pltpu.VMEM((TPW,), jnp.int32),
            pltpu.VMEM((TPW, H), jnp.float32),
            pltpu.VMEM((TPW, H), jnp.float32),
            pltpu.VMEM((TPW, H), jnp.float32),
            pltpu.VMEM((2, H), jnp.float32),
            pltpu.SemaphoreType.DMA,
        ],
        compiler_params=pltpu.CompilerParams(needs_layout_passes=False),
    )(_body)
    return fn(idx, tt, word_table, pos_table, type_table, gb)


def kernel(indices, token_type, word_table, pos_table, type_table, ln_gamma, ln_beta):
    idx = indices.reshape(-1).astype(jnp.int32)
    tt = token_type.reshape(-1).astype(jnp.int32)
    gb = jnp.stack([ln_gamma, ln_beta]).astype(jnp.float32)
    out = _run(idx, tt, word_table, pos_table, type_table, gb)
    return out.reshape(indices.shape + (H,))

# --- scband reference (transcript-rebuilt; emitter-appended) ---
"""Pipeline reference for scband-bert-embedding-1400159338840 (READ-ONLY COPY).

The authoritative reference and input builder live on the scoring server;
editing this copy changes nothing except your own understanding.
"""

import jax, jax.numpy as jnp
import numpy as np

VOCAB = 1000000
HIDDEN = 128
MAX_LEN = 2048
B, S = 4, 2048


def setup_inputs(seed: int = 0) -> dict:
    key = jax.random.key(seed)
    k1, k2, k3, k4, k5 = jax.random.split(key, 5)
    indices = jax.random.randint(k1, (B, S), 0, VOCAB, dtype=jnp.int64 if jax.config.jax_enable_x64 else jnp.int32)
    token_type = jax.random.randint(k2, (B, S), 0, 2, dtype=jnp.int64 if jax.config.jax_enable_x64 else jnp.int32)
    word_table = jax.random.normal(k3, (VOCAB, HIDDEN), dtype=jnp.float32) * 0.02
    pos_table = jax.random.normal(k4, (MAX_LEN, HIDDEN), dtype=jnp.float32) * 0.02
    type_table = jax.random.normal(k5, (2, HIDDEN), dtype=jnp.float32) * 0.02
    ln_gamma = jnp.ones((HIDDEN,), dtype=jnp.float32)
    ln_beta = jnp.zeros((HIDDEN,), dtype=jnp.float32)
    return {
        "indices": indices,
        "token_type": token_type,
        "word_table": word_table,
        "pos_table": pos_table,
        "type_table": type_table,
        "ln_gamma": ln_gamma,
        "ln_beta": ln_beta,
    }


def _layernorm(x, gamma, beta, eps=1e-5):
    mean = jnp.mean(x, axis=-1, keepdims=True)
    var = jnp.mean(jnp.square(x - mean), axis=-1, keepdims=True)
    return (x - mean) / jnp.sqrt(var + eps) * gamma + beta


def reference(indices, token_type, word_table, pos_table, type_table, ln_gamma, ln_beta):
    # word embedding gather
    w_emb = jnp.take(word_table, indices, axis=0)
    N, seq_len = indices.shape
    pos_indices = jnp.broadcast_to(jnp.arange(seq_len)[None, :], (N, seq_len))
    p_emb = jnp.take(pos_table, pos_indices, axis=0)
    t_emb = jnp.take(type_table, token_type, axis=0)
    embedding = w_emb + p_emb + t_emb
    embedding = _layernorm(embedding, ln_gamma, ln_beta)
    # dropout is identity in eval mode
    return embedding

if __name__ == "__main__":
    import jax
    _d = setup_inputs()
    print(jax.jit(kernel)(*tuple(_d.values())))

</pallas_src>

<mosaic_0001>
#map = affine_map<(d0, d1) -> (0)>
#map1 = affine_map<(d0, d1) -> (0, 0)>
module attributes {stable_mosaic.version = 14 : i64} {
  func.func @_body(%arg0: i32, %arg1: i32, %arg2: memref<8192xi32, #tpu.memory_space<hbm>>, %arg3: memref<8192xi32, #tpu.memory_space<hbm>>, %arg4: memref<1000000x128xf32, #tpu.memory_space<hbm>>, %arg5: memref<2048x128xf32, #tpu.memory_space<hbm>>, %arg6: memref<2x128xf32, #tpu.memory_space<hbm>>, %arg7: memref<2x128xf32, #tpu.memory_space<hbm>>, %arg8: memref<8192x128xf32, #tpu.memory_space<hbm>>, %arg9: memref<256xi32, #tpu.memory_space<vmem>>, %arg10: memref<256xi32, #tpu.memory_space<vmem>>, %arg11: memref<256x128xf32, #tpu.memory_space<vmem>>, %arg12: memref<256x128xf32, #tpu.memory_space<vmem>>, %arg13: memref<256x128xf32, #tpu.memory_space<vmem>>, %arg14: memref<2x128xf32, #tpu.memory_space<vmem>>, %arg15: memref<!tpu.dma_semaphore, #tpu.memory_space<semaphore_mem>>) attributes {dimension_semantics = [#tpu.dimension_semantics<core_parallel>, #tpu.dimension_semantics<subcore_parallel>], iteration_bounds = array<i64: 2, 16>, scalar_prefetch = 0 : i64, scratch_operands = 7 : i64, tpu.core_type = #tpu.core_type<sc_vector_subcore>, window_params = [{transform_indices = #map}, {transform_indices = #map}, {transform_indices = #map1}, {transform_indices = #map1}, {transform_indices = #map1}, {transform_indices = #map1}, {transform_indices = #map1}]} {
    %mul3A = arith.constant 2 : i32
    %mul3A_0 = arith.muli %arg1, %mul3A : i32
    %add3A = arith.addi %mul3A_0, %arg0 : i32
    %mul3A_1 = arith.constant 256 : i32
    %mul3A_2 = arith.muli %add3A, %mul3A_1 : i32
    %rem3A = arith.constant 2048 : i32
    %rem3A_3 = arith.remsi %mul3A_2, %rem3A : i32
    "tpu.region"() ({
      %run_scoped3A = tpu.sem_alloc : memref<!tpu.dma_semaphore, #tpu.memory_space<semaphore_mem>>
      %dma_start3A_82 = tpu.memref_slice %arg2[%mul3A_2] : memref<8192xi32, #tpu.memory_space<hbm>> -> memref<256xi32, #tpu.memory_space<hbm>>
      %dma_start3A_83 = tpu.memref_slice %arg2[%mul3A_2] : memref<8192xi32, #tpu.memory_space<hbm>> -> memref<256xi32, #tpu.memory_space<hbm>>
      tpu.enqueue_dma source(%dma_start3A_83 : memref<256xi32, #tpu.memory_space<hbm>>) target(%arg9 : memref<256xi32, #tpu.memory_space<vmem>>) target_semaphore(%run_scoped3A : memref<!tpu.dma_semaphore, #tpu.memory_space<semaphore_mem>>)
      %dma_wait3A_84 = tpu.memref_slice %arg2[%mul3A_2] : memref<8192xi32, #tpu.memory_space<hbm>> -> memref<256xi32, #tpu.memory_space<hbm>>
      %dma_wait3A_85 = tpu.memref_slice %arg2[%mul3A_2] : memref<8192xi32, #tpu.memory_space<hbm>> -> memref<256xi32, #tpu.memory_space<hbm>>
      tpu.wait_dma2 semaphore(%run_scoped3A : memref<!tpu.dma_semaphore, #tpu.memory_space<semaphore_mem>>) src(%dma_wait3A_85 : memref<256xi32, #tpu.memory_space<hbm>>) dst(%arg9 : memref<256xi32, #tpu.memory_space<vmem>>)
      tpu.yield
    }) : () -> ()
    "tpu.region"() ({
      %run_scoped3A = tpu.sem_alloc : memref<!tpu.dma_semaphore, #tpu.memory_space<semaphore_mem>>
      %dma_start3A_82 = tpu.memref_slice %arg3[%mul3A_2] : memref<8192xi32, #tpu.memory_space<hbm>> -> memref<256xi32, #tpu.memory_space<hbm>>
      %dma_start3A_83 = tpu.memref_slice %arg3[%mul3A_2] : memref<8192xi32, #tpu.memory_space<hbm>> -> memref<256xi32, #tpu.memory_space<hbm>>
      tpu.enqueue_dma source(%dma_start3A_83 : memref<256xi32, #tpu.memory_space<hbm>>) target(%arg10 : memref<256xi32, #tpu.memory_space<vmem>>) target_semaphore(%run_scoped3A : memref<!tpu.dma_semaphore, #tpu.memory_space<semaphore_mem>>)
      %dma_wait3A_84 = tpu.memref_slice %arg3[%mul3A_2] : memref<8192xi32, #tpu.memory_space<hbm>> -> memref<256xi32, #tpu.memory_space<hbm>>
      %dma_wait3A_85 = tpu.memref_slice %arg3[%mul3A_2] : memref<8192xi32, #tpu.memory_space<hbm>> -> memref<256xi32, #tpu.memory_space<hbm>>
      tpu.wait_dma2 semaphore(%run_scoped3A : memref<!tpu.dma_semaphore, #tpu.memory_space<semaphore_mem>>) src(%dma_wait3A_85 : memref<256xi32, #tpu.memory_space<hbm>>) dst(%arg10 : memref<256xi32, #tpu.memory_space<vmem>>)
      tpu.yield
    }) : () -> ()
    %dma_start3A = arith.constant 0 : i32
    %dma_start3A_4 = arith.constant 0 : i32
    %dma_start3A_5 = tpu.memref_slice %arg4[%dma_start3A, %dma_start3A_4] : memref<1000000x128xf32, #tpu.memory_space<hbm>> -> memref<1000000x128xf32, #tpu.memory_space<hbm>>
    tpu.enqueue_indirect_dma source(%dma_start3A_5 : memref<1000000x128xf32, #tpu.memory_space<hbm>>) target(%arg11 : memref<256x128xf32, #tpu.memory_space<vmem>>) offsets(%arg9 : memref<256xi32, #tpu.memory_space<vmem>>) semaphore(%arg15 : memref<!tpu.dma_semaphore, #tpu.memory_space<semaphore_mem>>)
    %dma_start3A_6 = arith.constant 0 : i32
    %dma_start3A_7 = arith.constant 0 : i32
    %dma_start3A_8 = tpu.memref_slice %arg6[%dma_start3A_6, %dma_start3A_7] : memref<2x128xf32, #tpu.memory_space<hbm>> -> memref<2x128xf32, #tpu.memory_space<hbm>>
    tpu.enqueue_indirect_dma source(%dma_start3A_8 : memref<2x128xf32, #tpu.memory_space<hbm>>) target(%arg13 : memref<256x128xf32, #tpu.memory_space<vmem>>) offsets(%arg10 : memref<256xi32, #tpu.memory_space<vmem>>) semaphore(%arg15 : memref<!tpu.dma_semaphore, #tpu.memory_space<semaphore_mem>>)
    "tpu.region"() ({
      %run_scoped3A = tpu.sem_alloc : memref<!tpu.dma_semaphore, #tpu.memory_space<semaphore_mem>>
      %dma_start3A_82 = arith.constant 0 : i32
      %dma_start3A_83 = tpu.memref_slice %arg5[%rem3A_3, %dma_start3A_82] : memref<2048x128xf32, #tpu.memory_space<hbm>> -> memref<256x128xf32, #tpu.memory_space<hbm>>
      %dma_start3A_84 = arith.constant 0 : i32
      %dma_start3A_85 = tpu.memref_slice %arg5[%rem3A_3, %dma_start3A_84] : memref<2048x128xf32, #tpu.memory_space<hbm>> -> memref<256x128xf32, #tpu.memory_space<hbm>>
      tpu.enqueue_dma source(%dma_start3A_85 : memref<256x128xf32, #tpu.memory_space<hbm>>) target(%arg12 : memref<256x128xf32, #tpu.memory_space<vmem>>) target_semaphore(%run_scoped3A : memref<!tpu.dma_semaphore, #tpu.memory_space<semaphore_mem>>)
      %dma_wait3A_86 = arith.constant 0 : i32
      %dma_wait3A_87 = tpu.memref_slice %arg5[%rem3A_3, %dma_wait3A_86] : memref<2048x128xf32, #tpu.memory_space<hbm>> -> memref<256x128xf32, #tpu.memory_space<hbm>>
      %dma_wait3A_88 = arith.constant 0 : i32
      %dma_wait3A_89 = tpu.memref_slice %arg5[%rem3A_3, %dma_wait3A_88] : memref<2048x128xf32, #tpu.memory_space<hbm>> -> memref<256x128xf32, #tpu.memory_space<hbm>>
      tpu.wait_dma2 semaphore(%run_scoped3A : memref<!tpu.dma_semaphore, #tpu.memory_space<semaphore_mem>>) src(%dma_wait3A_89 : memref<256x128xf32, #tpu.memory_space<hbm>>) dst(%arg12 : memref<256x128xf32, #tpu.memory_space<vmem>>)
      tpu.yield
    }) : () -> ()
    "tpu.region"() ({
      %run_scoped3A = tpu.sem_alloc : memref<!tpu.dma_semaphore, #tpu.memory_space<semaphore_mem>>
      tpu.enqueue_dma source(%arg7 : memref<2x128xf32, #tpu.memory_space<hbm>>) target(%arg14 : memref<2x128xf32, #tpu.memory_space<vmem>>) target_semaphore(%run_scoped3A : memref<!tpu.dma_semaphore, #tpu.memory_space<semaphore_mem>>)
      tpu.wait_dma2 semaphore(%run_scoped3A : memref<!tpu.dma_semaphore, #tpu.memory_space<semaphore_mem>>) src(%arg7 : memref<2x128xf32, #tpu.memory_space<hbm>>) dst(%arg14 : memref<2x128xf32, #tpu.memory_space<vmem>>)
      tpu.yield
    }) : () -> ()
    %dma_wait3A = arith.constant 0 : i32
    %dma_wait3A_9 = arith.constant 0 : i32
    %dma_wait3A_10 = tpu.memref_slice %arg4[%dma_wait3A, %dma_wait3A_9] : memref<1000000x128xf32, #tpu.memory_space<hbm>> -> memref<1000000x128xf32, #tpu.memory_space<hbm>>
    tpu.wait_indirect_dma semaphore(%arg15 : memref<!tpu.dma_semaphore, #tpu.memory_space<semaphore_mem>>) src(%dma_wait3A_10 : memref<1000000x128xf32, #tpu.memory_space<hbm>>) dst(%arg11 : memref<256x128xf32, #tpu.memory_space<vmem>>)
    %dma_wait3A_11 = arith.constant 0 : i32
    %dma_wait3A_12 = arith.constant 0 : i32
    %dma_wait3A_13 = tpu.memref_slice %arg6[%dma_wait3A_11, %dma_wait3A_12] : memref<2x128xf32, #tpu.memory_space<hbm>> -> memref<2x128xf32, #tpu.memory_space<hbm>>
    tpu.wait_indirect_dma semaphore(%arg15 : memref<!tpu.dma_semaphore, #tpu.memory_space<semaphore_mem>>) src(%dma_wait3A_13 : memref<2x128xf32, #tpu.memory_space<hbm>>) dst(%arg13 : memref<256x128xf32, #tpu.memory_space<vmem>>)
    %get3A = arith.constant 0 : i32
    %get3A_14 = arith.index_cast %get3A : i32 to index
    %get3A_15 = arith.constant 0 : index
    %get3A_16 = tpu.vector_load %arg14[%get3A_14, %get3A_15] {strides = array<i32>} : memref<2x128xf32, #tpu.memory_space<vmem>>, vector<16xf32>,
    %get3A_17 = arith.constant 0 : i32
    %get3A_18 = arith.index_cast %get3A_17 : i32 to index
    %get3A_19 = arith.constant 16 : index
    %get3A_20 = tpu.vector_load %arg14[%get3A_18, %get3A_19] {strides = array<i32>} : memref<2x128xf32, #tpu.memory_space<vmem>>, vector<16xf32>,
    %get3A_21 = arith.constant 0 : i32
    %get3A_22 = arith.index_cast %get3A_21 : i32 to index
    %get3A_23 = arith.constant 32 : index
    %get3A_24 = tpu.vector_load %arg14[%get3A_22, %get3A_23] {strides = array<i32>} : memref<2x128xf32, #tpu.memory_space<vmem>>, vector<16xf32>,
    %get3A_25 = arith.constant 0 : i32
    %get3A_26 = arith.index_cast %get3A_25 : i32 to index
    %get3A_27 = arith.constant 48 : index
    %get3A_28 = tpu.vector_load %arg14[%get3A_26, %get3A_27] {strides = array<i32>} : memref<2x128xf32, #tpu.memory_space<vmem>>, vector<16xf32>,
    %get3A_29 = arith.constant 0 : i32
    %get3A_30 = arith.index_cast %get3A_29 : i32 to index
    %get3A_31 = arith.constant 64 : index
    %get3A_32 = tpu.vector_load %arg14[%get3A_30, %get3A_31] {strides = array<i32>} : memref<2x128xf32, #tpu.memory_space<vmem>>, vector<16xf32>,
    %get3A_33 = arith.constant 0 : i32
    %get3A_34 = arith.index_cast %get3A_33 : i32 to index
    %get3A_35 = arith.constant 80 : index
    %get3A_36 = tpu.vector_load %arg14[%get3A_34, %get3A_35] {strides = array<i32>} : memref<2x128xf32, #tpu.memory_space<vmem>>, vector<16xf32>,
    %get3A_37 = arith.constant 0 : i32
    %get3A_38 = arith.index_cast %get3A_37 : i32 to index
    %get3A_39 = arith.constant 96 : index
    %get3A_40 = tpu.vector_load %arg14[%get3A_38, %get3A_39] {strides = array<i32>} : memref<2x128xf32, #tpu.memory_space<vmem>>, vector<16xf32>,
    %get3A_41 = arith.constant 0 : i32
    %get3A_42 = arith.index_cast %get3A_41 : i32 to index
    %get3A_43 = arith.constant 112 : index
    %get3A_44 = tpu.vector_load %arg14[%get3A_42, %get3A_43] {strides = array<i32>} : memref<2x128xf32, #tpu.memory_space<vmem>>, vector<16xf32>,
    %get3A_45 = arith.constant 1 : i32
    %get3A_46 = arith.index_cast %get3A_45 : i32 to index
    %get3A_47 = arith.constant 0 : index
    %get3A_48 = tpu.vector_load %arg14[%get3A_46, %get3A_47] {strides = array<i32>} : memref<2x128xf32, #tpu.memory_space<vmem>>, vector<16xf32>,
    %get3A_49 = arith.constant 1 : i32
    %get3A_50 = arith.index_cast %get3A_49 : i32 to index
    %get3A_51 = arith.constant 16 : index
    %get3A_52 = tpu.vector_load %arg14[%get3A_50, %get3A_51] {strides = array<i32>} : memref<2x128xf32, #tpu.memory_space<vmem>>, vector<16xf32>,
    %get3A_53 = arith.constant 1 : i32
    %get3A_54 = arith.index_cast %get3A_53 : i32 to index
    %get3A_55 = arith.constant 32 : index
    %get3A_56 = tpu.vector_load %arg14[%get3A_54, %get3A_55] {strides = array<i32>} : memref<2x128xf32, #tpu.memory_space<vmem>>, vector<16xf32>,
    %get3A_57 = arith.constant 1 : i32
    %get3A_58 = arith.index_cast %get3A_57 : i32 to index
    %get3A_59 = arith.constant 48 : index
    %get3A_60 = tpu.vector_load %arg14[%get3A_58, %get3A_59] {strides = array<i32>} : memref<2x128xf32, #tpu.memory_space<vmem>>, vector<16xf32>,
    %get3A_61 = arith.constant 1 : i32
    %get3A_62 = arith.index_cast %get3A_61 : i32 to index
    %get3A_63 = arith.constant 64 : index
    %get3A_64 = tpu.vector_load %arg14[%get3A_62, %get3A_63] {strides = array<i32>} : memref<2x128xf32, #tpu.memory_space<vmem>>, vector<16xf32>,
    %get3A_65 = arith.constant 1 : i32
    %get3A_66 = arith.index_cast %get3A_65 : i32 to index
    %get3A_67 = arith.constant 80 : index
    %get3A_68 = tpu.vector_load %arg14[%get3A_66, %get3A_67] {strides = array<i32>} : memref<2x128xf32, #tpu.memory_space<vmem>>, vector<16xf32>,
    %get3A_69 = arith.constant 1 : i32
    %get3A_70 = arith.index_cast %get3A_69 : i32 to index
    %get3A_71 = arith.constant 96 : index
    %get3A_72 = tpu.vector_load %arg14[%get3A_70, %get3A_71] {strides = array<i32>} : memref<2x128xf32, #tpu.memory_space<vmem>>, vector<16xf32>,
    %get3A_73 = arith.constant 1 : i32
    %get3A_74 = arith.index_cast %get3A_73 : i32 to index
    %get3A_75 = arith.constant 112 : index
    %get3A_76 = tpu.vector_load %arg14[%get3A_74, %get3A_75] {strides = array<i32>} : memref<2x128xf32, #tpu.memory_space<vmem>>, vector<16xf32>,
    %scan3A = arith.constant 0 : i32
    %scan3A_77 = arith.constant 0 : i32
    %scan3A_78 = arith.constant 256 : i32
    %scan3A_79 = arith.addi %scan3A_77, %scan3A_78 : i32
    %scan3A_80 = arith.constant 1 : i32
    scf.for %scan3A_82 = %scan3A_77 to %scan3A_79 step %scan3A_80  : i32 {
      %get3A_83 = arith.index_cast %scan3A_82 : i32 to index
      %get3A_84 = arith.constant 0 : index
      %get3A_85 = tpu.vector_load %arg11[%get3A_83, %get3A_84] {strides = array<i32>} : memref<256x128xf32, #tpu.memory_space<vmem>>, vector<16xf32>,
      %get3A_86 = arith.index_cast %scan3A_82 : i32 to index
      %get3A_87 = arith.constant 0 : index
      %get3A_88 = tpu.vector_load %arg12[%get3A_86, %get3A_87] {strides = array<i32>} : memref<256x128xf32, #tpu.memory_space<vmem>>, vector<16xf32>,
      %add3A_89 = arith.addf %get3A_85, %get3A_88 : vector<16xf32>
      %get3A_90 = arith.index_cast %scan3A_82 : i32 to index
      %get3A_91 = arith.constant 0 : index
      %get3A_92 = tpu.vector_load %arg13[%get3A_90, %get3A_91] {strides = array<i32>} : memref<256x128xf32, #tpu.memory_space<vmem>>, vector<16xf32>,
      %add3A_93 = arith.addf %add3A_89, %get3A_92 : vector<16xf32>
      %get3A_94 = arith.index_cast %scan3A_82 : i32 to index
      %get3A_95 = arith.constant 16 : index
      %get3A_96 = tpu.vector_load %arg11[%get3A_94, %get3A_95] {strides = array<i32>} : memref<256x128xf32, #tpu.memory_space<vmem>>, vector<16xf32>,
      %get3A_97 = arith.index_cast %scan3A_82 : i32 to index
      %get3A_98 = arith.constant 16 : index
      %get3A_99 = tpu.vector_load %arg12[%get3A_97, %get3A_98] {strides = array<i32>} : memref<256x128xf32, #tpu.memory_space<vmem>>, vector<16xf32>,
      %add3A_100 = arith.addf %get3A_96, %get3A_99 : vector<16xf32>
      %get3A_101 = arith.index_cast %scan3A_82 : i32 to index
      %get3A_102 = arith.constant 16 : index
      %get3A_103 = tpu.vector_load %arg13[%get3A_101, %get3A_102] {strides = array<i32>} : memref<256x128xf32, #tpu.memory_space<vmem>>, vector<16xf32>,
      %add3A_104 = arith.addf %add3A_100, %get3A_103 : vector<16xf32>
      %get3A_105 = arith.index_cast %scan3A_82 : i32 to index
      %get3A_106 = arith.constant 32 : index
      %get3A_107 = tpu.vector_load %arg11[%get3A_105, %get3A_106] {strides = array<i32>} : memref<256x128xf32, #tpu.memory_space<vmem>>, vector<16xf32>,
      %get3A_108 = arith.index_cast %scan3A_82 : i32 to index
      %get3A_109 = arith.constant 32 : index
      %get3A_110 = tpu.vector_load %arg12[%get3A_108, %get3A_109] {strides = array<i32>} : memref<256x128xf32, #tpu.memory_space<vmem>>, vector<16xf32>,
      %add3A_111 = arith.addf %get3A_107, %get3A_110 : vector<16xf32>
      %get3A_112 = arith.index_cast %scan3A_82 : i32 to index
      %get3A_113 = arith.constant 32 : index
      %get3A_114 = tpu.vector_load %arg13[%get3A_112, %get3A_113] {strides = array<i32>} : memref<256x128xf32, #tpu.memory_space<vmem>>, vector<16xf32>,
      %add3A_115 = arith.addf %add3A_111, %get3A_114 : vector<16xf32>
      %get3A_116 = arith.index_cast %scan3A_82 : i32 to index
      %get3A_117 = arith.constant 48 : index
      %get3A_118 = tpu.vector_load %arg11[%get3A_116, %get3A_117] {strides = array<i32>} : memref<256x128xf32, #tpu.memory_space<vmem>>, vector<16xf32>,
      %get3A_119 = arith.index_cast %scan3A_82 : i32 to index
      %get3A_120 = arith.constant 48 : index
      %get3A_121 = tpu.vector_load %arg12[%get3A_119, %get3A_120] {strides = array<i32>} : memref<256x128xf32, #tpu.memory_space<vmem>>, vector<16xf32>,
      %add3A_122 = arith.addf %get3A_118, %get3A_121 : vector<16xf32>
      %get3A_123 = arith.index_cast %scan3A_82 : i32 to index
      %get3A_124 = arith.constant 48 : index
      %get3A_125 = tpu.vector_load %arg13[%get3A_123, %get3A_124] {strides = array<i32>} : memref<256x128xf32, #tpu.memory_space<vmem>>, vector<16xf32>,
      %add3A_126 = arith.addf %add3A_122, %get3A_125 : vector<16xf32>
      %get3A_127 = arith.index_cast %scan3A_82 : i32 to index
      %get3A_128 = arith.constant 64 : index
      %get3A_129 = tpu.vector_load %arg11[%get3A_127, %get3A_128] {strides = array<i32>} : memref<256x128xf32, #tpu.memory_space<vmem>>, vector<16xf32>,
      %get3A_130 = arith.index_cast %scan3A_82 : i32 to index
      %get3A_131 = arith.constant 64 : index
      %get3A_132 = tpu.vector_load %arg12[%get3A_130, %get3A_131] {strides = array<i32>} : memref<256x128xf32, #tpu.memory_space<vmem>>, vector<16xf32>,
      %add3A_133 = arith.addf %get3A_129, %get3A_132 : vector<16xf32>
      %get3A_134 = arith.index_cast %scan3A_82 : i32 to index
      %get3A_135 = arith.constant 64 : index
      %get3A_136 = tpu.vector_load %arg13[%get3A_134, %get3A_135] {strides = array<i32>} : memref<256x128xf32, #tpu.memory_space<vmem>>, vector<16xf32>,
      %add3A_137 = arith.addf %add3A_133, %get3A_136 : vector<16xf32>
      %get3A_138 = arith.index_cast %scan3A_82 : i32 to index
      %get3A_139 = arith.constant 80 : index
      %get3A_140 = tpu.vector_load %arg11[%get3A_138, %get3A_139] {strides = array<i32>} : memref<256x128xf32, #tpu.memory_space<vmem>>, vector<16xf32>,
      %get3A_141 = arith.index_cast %scan3A_82 : i32 to index
      %get3A_142 = arith.constant 80 : index
      %get3A_143 = tpu.vector_load %arg12[%get3A_141, %get3A_142] {strides = array<i32>} : memref<256x128xf32, #tpu.memory_space<vmem>>, vector<16xf32>,
      %add3A_144 = arith.addf %get3A_140, %get3A_143 : vector<16xf32>
      %get3A_145 = arith.index_cast %scan3A_82 : i32 to index
      %get3A_146 = arith.constant 80 : index
      %get3A_147 = tpu.vector_load %arg13[%get3A_145, %get3A_146] {strides = array<i32>} : memref<256x128xf32, #tpu.memory_space<vmem>>, vector<16xf32>,
      %add3A_148 = arith.addf %add3A_144, %get3A_147 : vector<16xf32>
      %get3A_149 = arith.index_cast %scan3A_82 : i32 to index
      %get3A_150 = arith.constant 96 : index
      %get3A_151 = tpu.vector_load %arg11[%get3A_149, %get3A_150] {strides = array<i32>} : memref<256x128xf32, #tpu.memory_space<vmem>>, vector<16xf32>,
      %get3A_152 = arith.index_cast %scan3A_82 : i32 to index
      %get3A_153 = arith.constant 96 : index
      %get3A_154 = tpu.vector_load %arg12[%get3A_152, %get3A_153] {strides = array<i32>} : memref<256x128xf32, #tpu.memory_space<vmem>>, vector<16xf32>,
      %add3A_155 = arith.addf %get3A_151, %get3A_154 : vector<16xf32>
      %get3A_156 = arith.index_cast %scan3A_82 : i32 to index
      %get3A_157 = arith.constant 96 : index
      %get3A_158 = tpu.vector_load %arg13[%get3A_156, %get3A_157] {strides = array<i32>} : memref<256x128xf32, #tpu.memory_space<vmem>>, vector<16xf32>,
      %add3A_159 = arith.addf %add3A_155, %get3A_158 : vector<16xf32>
      %get3A_160 = arith.index_cast %scan3A_82 : i32 to index
      %get3A_161 = arith.constant 112 : index
      %get3A_162 = tpu.vector_load %arg11[%get3A_160, %get3A_161] {strides = array<i32>} : memref<256x128xf32, #tpu.memory_space<vmem>>, vector<16xf32>,
      %get3A_163 = arith.index_cast %scan3A_82 : i32 to index
      %get3A_164 = arith.constant 112 : index
      %get3A_165 = tpu.vector_load %arg12[%get3A_163, %get3A_164] {strides = array<i32>} : memref<256x128xf32, #tpu.memory_space<vmem>>, vector<16xf32>,
      %add3A_166 = arith.addf %get3A_162, %get3A_165 : vector<16xf32>
      %get3A_167 = arith.index_cast %scan3A_82 : i32 to index
      %get3A_168 = arith.constant 112 : index
      %get3A_169 = tpu.vector_load %arg13[%get3A_167, %get3A_168] {strides = array<i32>} : memref<256x128xf32, #tpu.memory_space<vmem>>, vector<16xf32>,
      %add3A_170 = arith.addf %add3A_166, %get3A_169 : vector<16xf32>
      %mul3A_171 = arith.mulf %add3A_93, %add3A_93 : vector<16xf32>
      %add3A_172 = arith.addf %add3A_93, %add3A_104 : vector<16xf32>
      %mul3A_173 = arith.mulf %add3A_104, %add3A_104 : vector<16xf32>
      %add3A_174 = arith.addf %mul3A_171, %mul3A_173 : vector<16xf32>
      %add3A_175 = arith.addf %add3A_172, %add3A_115 : vector<16xf32>
      %mul3A_176 = arith.mulf %add3A_115, %add3A_115 : vector<16xf32>
      %add3A_177 = arith.addf %add3A_174, %mul3A_176 : vector<16xf32>
      %add3A_178 = arith.addf %add3A_175, %add3A_126 : vector<16xf32>
      %mul3A_179 = arith.mulf %add3A_126, %add3A_126 : vector<16xf32>
      %add3A_180 = arith.addf %add3A_177, %mul3A_179 : vector<16xf32>
      %add3A_181 = arith.addf %add3A_178, %add3A_137 : vector<16xf32>
      %mul3A_182 = arith.mulf %add3A_137, %add3A_137 : vector<16xf32>
      %add3A_183 = arith.addf %add3A_180, %mul3A_182 : vector<16xf32>
      %add3A_184 = arith.addf %add3A_181, %add3A_148 : vector<16xf32>
      %mul3A_185 = arith.mulf %add3A_148, %add3A_148 : vector<16xf32>
      %add3A_186 = arith.addf %add3A_183, %mul3A_185 : vector<16xf32>
      %add3A_187 = arith.addf %add3A_184, %add3A_159 : vector<16xf32>
      %mul3A_188 = arith.mulf %add3A_159, %add3A_159 : vector<16xf32>
      %add3A_189 = arith.addf %add3A_186, %mul3A_188 : vector<16xf32>
      %add3A_190 = arith.addf %add3A_187, %add3A_170 : vector<16xf32>
      %mul3A_191 = arith.mulf %add3A_170, %add3A_170 : vector<16xf32>
      %add3A_192 = arith.addf %add3A_189, %mul3A_191 : vector<16xf32>
      %reduce_sum3A = arith.constant true
      %reduce_sum3A_193 = vector.broadcast %reduce_sum3A : i1 to vector<16xi1>
      %reduce_sum3A_194 = tpu.scan <sum>, %add3A_190 masked %reduce_sum3A_193 : vector<16xf32>, vector<16xi1> -> vector<16xf32>
      %reduce_sum3A_195 = vector.extract %reduce_sum3A_194[15] : f32 from vector<16xf32>
      %reduce_sum3A_196 = arith.constant true
      %reduce_sum3A_197 = vector.broadcast %reduce_sum3A_196 : i1 to vector<16xi1>
      %reduce_sum3A_198 = tpu.scan <sum>, %add3A_192 masked %reduce_sum3A_197 : vector<16xf32>, vector<16xi1> -> vector<16xf32>
      %reduce_sum3A_199 = vector.extract %reduce_sum3A_198[15] : f32 from vector<16xf32>
      %mul3A_200 = arith.constant 7.812500e-03 : f32
      %mul3A_201 = arith.mulf %reduce_sum3A_195, %mul3A_200 : f32
      %mul3A_202 = arith.constant 7.812500e-03 : f32
      %mul3A_203 = arith.mulf %reduce_sum3A_199, %mul3A_202 : f32
      %mul3A_204 = arith.mulf %mul3A_201, %mul3A_201 : f32
      %sub3A = arith.subf %mul3A_203, %mul3A_204 : f32
      %add3A_205 = arith.constant 9.99999974E-6 : f32
      %add3A_206 = arith.addf %sub3A, %add3A_205 : f32
      %broadcast_in_dim3A = vector.broadcast %add3A_206 : f32 to vector<16xf32>
      %bitcast_convert_type3A = tpu.bitcast %broadcast_in_dim3A : vector<16xf32> -> vector<16xi32>
      %shift_right_arithmetic3A = arith.constant 1 : i32
      %shift_right_arithmetic3A_207 = vector.broadcast %shift_right_arithmetic3A : i32 to vector<16xi32>
      %shift_right_arithmetic3A_208 = arith.shrsi %bitcast_convert_type3A, %shift_right_arithmetic3A_207 : vector<16xi32>
      %sub3A_209 = arith.constant 1597463007 : i32
      %sub3A_210 = vector.broadcast %sub3A_209 : i32 to vector<16xi32>
      %sub3A_211 = arith.subi %sub3A_210, %shift_right_arithmetic3A_208 : vector<16xi32>
      %bitcast_convert_type3A_212 = tpu.bitcast %sub3A_211 : vector<16xi32> -> vector<16xf32>
      %mul3A_213 = arith.constant 5.000000e-01 : f32
      %mul3A_214 = vector.broadcast %mul3A_213 : f32 to vector<16xf32>
      %mul3A_215 = arith.mulf %mul3A_214, %broadcast_in_dim3A : vector<16xf32>
      %mul3A_216 = arith.mulf %mul3A_215, %bitcast_convert_type3A_212 : vector<16xf32>
      %mul3A_217 = arith.mulf %mul3A_216, %bitcast_convert_type3A_212 : vector<16xf32>
      %sub3A_218 = arith.constant 1.500000e+00 : f32
      %sub3A_219 = vector.broadcast %sub3A_218 : f32 to vector<16xf32>
      %sub3A_220 = arith.subf %sub3A_219, %mul3A_217 : vector<16xf32>
      %mul3A_221 = arith.mulf %bitcast_convert_type3A_212, %sub3A_220 : vector<16xf32>
      %mul3A_222 = arith.constant 5.000000e-01 : f32
      %mul3A_223 = vector.broadcast %mul3A_222 : f32 to vector<16xf32>
      %mul3A_224 = arith.mulf %mul3A_223, %broadcast_in_dim3A : vector<16xf32>
      %mul3A_225 = arith.mulf %mul3A_224, %mul3A_221 : vector<16xf32>
      %mul3A_226 = arith.mulf %mul3A_225, %mul3A_221 : vector<16xf32>
      %sub3A_227 = arith.constant 1.500000e+00 : f32
      %sub3A_228 = vector.broadcast %sub3A_227 : f32 to vector<16xf32>
      %sub3A_229 = arith.subf %sub3A_228, %mul3A_226 : vector<16xf32>
      %mul3A_230 = arith.mulf %mul3A_221, %sub3A_229 : vector<16xf32>
      %mul3A_231 = arith.constant 5.000000e-01 : f32
      %mul3A_232 = vector.broadcast %mul3A_231 : f32 to vector<16xf32>
      %mul3A_233 = arith.mulf %mul3A_232, %broadcast_in_dim3A : vector<16xf32>
      %mul3A_234 = arith.mulf %mul3A_233, %mul3A_230 : vector<16xf32>
      %mul3A_235 = arith.mulf %mul3A_234, %mul3A_230 : vector<16xf32>
      %sub3A_236 = arith.constant 1.500000e+00 : f32
      %sub3A_237 = vector.broadcast %sub3A_236 : f32 to vector<16xf32>
      %sub3A_238 = arith.subf %sub3A_237, %mul3A_235 : vector<16xf32>
      %mul3A_239 = arith.mulf %mul3A_230, %sub3A_238 : vector<16xf32>
      %broadcast_in_dim3A_240 = vector.broadcast %mul3A_201 : f32 to vector<16xf32>
      %sub3A_241 = arith.subf %add3A_93, %broadcast_in_dim3A_240 : vector<16xf32>
      %mul3A_242 = arith.mulf %sub3A_241, %mul3A_239 : vector<16xf32>
      %mul3A_243 = arith.mulf %mul3A_242, %get3A_16 : vector<16xf32>
      %add3A_244 = arith.addf %mul3A_243, %get3A_48 : vector<16xf32>
      %swap3A = arith.index_cast %scan3A_82 : i32 to index
      %swap3A_245 = arith.constant 0 : index
      %swap3A_246 = tpu.vector_load %arg11[%swap3A, %swap3A_245] {strides = array<i32>} : memref<256x128xf32, #tpu.memory_space<vmem>>, vector<16xf32>,
      tpu.vector_store %arg11[%swap3A, %swap3A_245], %add3A_244 {strides = array<i32>} : memref<256x128xf32, #tpu.memory_space<vmem>>, vector<16xf32>,
      %sub3A_247 = arith.subf %add3A_104, %broadcast_in_dim3A_240 : vector<16xf32>
      %mul3A_248 = arith.mulf %sub3A_247, %mul3A_239 : vector<16xf32>
      %mul3A_249 = arith.mulf %mul3A_248, %get3A_20 : vector<16xf32>
      %add3A_250 = arith.addf %mul3A_249, %get3A_52 : vector<16xf32>
      %swap3A_251 = arith.index_cast %scan3A_82 : i32 to index
      %swap3A_252 = arith.constant 16 : index
      %swap3A_253 = tpu.vector_load %arg11[%swap3A_251, %swap3A_252] {strides = array<i32>} : memref<256x128xf32, #tpu.memory_space<vmem>>, vector<16xf32>,
      tpu.vector_store %arg11[%swap3A_251, %swap3A_252], %add3A_250 {strides = array<i32>} : memref<256x128xf32, #tpu.memory_space<vmem>>, vector<16xf32>,
      %sub3A_254 = arith.subf %add3A_115, %broadcast_in_dim3A_240 : vector<16xf32>
      %mul3A_255 = arith.mulf %sub3A_254, %mul3A_239 : vector<16xf32>
      %mul3A_256 = arith.mulf %mul3A_255, %get3A_24 : vector<16xf32>
      %add3A_257 = arith.addf %mul3A_256, %get3A_56 : vector<16xf32>
      %swap3A_258 = arith.index_cast %scan3A_82 : i32 to index
      %swap3A_259 = arith.constant 32 : index
      %swap3A_260 = tpu.vector_load %arg11[%swap3A_258, %swap3A_259] {strides = array<i32>} : memref<256x128xf32, #tpu.memory_space<vmem>>, vector<16xf32>,
      tpu.vector_store %arg11[%swap3A_258, %swap3A_259], %add3A_257 {strides = array<i32>} : memref<256x128xf32, #tpu.memory_space<vmem>>, vector<16xf32>,
      %sub3A_261 = arith.subf %add3A_126, %broadcast_in_dim3A_240 : vector<16xf32>
      %mul3A_262 = arith.mulf %sub3A_261, %mul3A_239 : vector<16xf32>
      %mul3A_263 = arith.mulf %mul3A_262, %get3A_28 : vector<16xf32>
      %add3A_264 = arith.addf %mul3A_263, %get3A_60 : vector<16xf32>
      %swap3A_265 = arith.index_cast %scan3A_82 : i32 to index
      %swap3A_266 = arith.constant 48 : index
      %swap3A_267 = tpu.vector_load %arg11[%swap3A_265, %swap3A_266] {strides = array<i32>} : memref<256x128xf32, #tpu.memory_space<vmem>>, vector<16xf32>,
      tpu.vector_store %arg11[%swap3A_265, %swap3A_266], %add3A_264 {strides = array<i32>} : memref<256x128xf32, #tpu.memory_space<vmem>>, vector<16xf32>,
      %sub3A_268 = arith.subf %add3A_137, %broadcast_in_dim3A_240 : vector<16xf32>
      %mul3A_269 = arith.mulf %sub3A_268, %mul3A_239 : vector<16xf32>
      %mul3A_270 = arith.mulf %mul3A_269, %get3A_32 : vector<16xf32>
      %add3A_271 = arith.addf %mul3A_270, %get3A_64 : vector<16xf32>
      %swap3A_272 = arith.index_cast %scan3A_82 : i32 to index
      %swap3A_273 = arith.constant 64 : index
      %swap3A_274 = tpu.vector_load %arg11[%swap3A_272, %swap3A_273] {strides = array<i32>} : memref<256x128xf32, #tpu.memory_space<vmem>>, vector<16xf32>,
      tpu.vector_store %arg11[%swap3A_272, %swap3A_273], %add3A_271 {strides = array<i32>} : memref<256x128xf32, #tpu.memory_space<vmem>>, vector<16xf32>,
      %sub3A_275 = arith.subf %add3A_148, %broadcast_in_dim3A_240 : vector<16xf32>
      %mul3A_276 = arith.mulf %sub3A_275, %mul3A_239 : vector<16xf32>
      %mul3A_277 = arith.mulf %mul3A_276, %get3A_36 : vector<16xf32>
      %add3A_278 = arith.addf %mul3A_277, %get3A_68 : vector<16xf32>
      %swap3A_279 = arith.index_cast %scan3A_82 : i32 to index
      %swap3A_280 = arith.constant 80 : index
      %swap3A_281 = tpu.vector_load %arg11[%swap3A_279, %swap3A_280] {strides = array<i32>} : memref<256x128xf32, #tpu.memory_space<vmem>>, vector<16xf32>,
      tpu.vector_store %arg11[%swap3A_279, %swap3A_280], %add3A_278 {strides = array<i32>} : memref<256x128xf32, #tpu.memory_space<vmem>>, vector<16xf32>,
      %sub3A_282 = arith.subf %add3A_159, %broadcast_in_dim3A_240 : vector<16xf32>
      %mul3A_283 = arith.mulf %sub3A_282, %mul3A_239 : vector<16xf32>
      %mul3A_284 = arith.mulf %mul3A_283, %get3A_40 : vector<16xf32>
      %add3A_285 = arith.addf %mul3A_284, %get3A_72 : vector<16xf32>
      %swap3A_286 = arith.index_cast %scan3A_82 : i32 to index
      %swap3A_287 = arith.constant 96 : index
      %swap3A_288 = tpu.vector_load %arg11[%swap3A_286, %swap3A_287] {strides = array<i32>} : memref<256x128xf32, #tpu.memory_space<vmem>>, vector<16xf32>,
      tpu.vector_store %arg11[%swap3A_286, %swap3A_287], %add3A_285 {strides = array<i32>} : memref<256x128xf32, #tpu.memory_space<vmem>>, vector<16xf32>,
      %sub3A_289 = arith.subf %add3A_170, %broadcast_in_dim3A_240 : vector<16xf32>
      %mul3A_290 = arith.mulf %sub3A_289, %mul3A_239 : vector<16xf32>
      %mul3A_291 = arith.mulf %mul3A_290, %get3A_44 : vector<16xf32>
      %add3A_292 = arith.addf %mul3A_291, %get3A_76 : vector<16xf32>
      %swap3A_293 = arith.index_cast %scan3A_82 : i32 to index
      %swap3A_294 = arith.constant 112 : index
      %swap3A_295 = tpu.vector_load %arg11[%swap3A_293, %swap3A_294] {strides = array<i32>} : memref<256x128xf32, #tpu.memory_space<vmem>>, vector<16xf32>,
      tpu.vector_store %arg11[%swap3A_293, %swap3A_294], %add3A_292 {strides = array<i32>} : memref<256x128xf32, #tpu.memory_space<vmem>>, vector<16xf32>,
    }
    %scan3A_81 = arith.constant 256 : i32
    "tpu.region"() ({
      %run_scoped3A = tpu.sem_alloc : memref<!tpu.dma_semaphore, #tpu.memory_space<semaphore_mem>>
      %dma_start3A_82 = arith.constant 0 : i32
      %dma_start3A_83 = tpu.memref_slice %arg8[%mul3A_2, %dma_start3A_82] : memref<8192x128xf32, #tpu.memory_space<hbm>> -> memref<256x128xf32, #tpu.memory_space<hbm>>
      %dma_start3A_84 = arith.constant 0 : i32
      %dma_start3A_85 = tpu.memref_slice %arg8[%mul3A_2, %dma_start3A_84] : memref<8192x128xf32, #tpu.memory_space<hbm>> -> memref<256x128xf32, #tpu.memory_space<hbm>>
      tpu.enqueue_dma source(%arg11 : memref<256x128xf32, #tpu.memory_space<vmem>>) target(%dma_start3A_85 : memref<256x128xf32, #tpu.memory_space<hbm>>) target_semaphore(%run_scoped3A : memref<!tpu.dma_semaphore, #tpu.memory_space<semaphore_mem>>)
      %dma_wait3A_86 = arith.constant 0 : i32
      %dma_wait3A_87 = tpu.memref_slice %arg8[%mul3A_2, %dma_wait3A_86] : memref<8192x128xf32, #tpu.memory_space<hbm>> -> memref<256x128xf32, #tpu.memory_space<hbm>>
      %dma_wait3A_88 = arith.constant 0 : i32
      %dma_wait3A_89 = tpu.memref_slice %arg8[%mul3A_2, %dma_wait3A_88] : memref<8192x128xf32, #tpu.memory_space<hbm>> -> memref<256x128xf32, #tpu.memory_space<hbm>>
      tpu.wait_dma2 semaphore(%run_scoped3A : memref<!tpu.dma_semaphore, #tpu.memory_space<semaphore_mem>>) src(%arg11 : memref<256x128xf32, #tpu.memory_space<vmem>>) dst(%dma_wait3A_89 : memref<256x128xf32, #tpu.memory_space<hbm>>)
      tpu.yield
    }) : () -> ()
    return
  }
}

</mosaic_0001>

<sc_bundles>
// kernel: _run.3.cloned.1.call-start
scs
__scs_entry_jumppad:
0x0: {  	(pc) =	sbr.rel $0x88, $3  }
0x1: {  	(tag) =	ssettag $0x0;
	lr =	simm.s32 $0x1  }
0x2: {  	[smem:$0x3F9B] =	sst lr;
	_ =	strace $0xD0000000  }
0x3: {  	_ = 	snop  }
0x4: {  	_ = 	snop  }
0x5: {  	_ = 	snop  }
0x6: {  	_ = 	snop  }
0x7: {  	_ = 	snop  }
__scs_overlays_trampoline_lowered:
0x8: {  	[smem:$0x3FAA] =	sst s0  }
0x9: {  	[smem:$0x3FAB] =	sst s1  }
0xa: {  	[smem:$0x3FAC] =	sst s2  }
0xb: {  	[smem:$0x3FAD] =	sst s3  }
0xc: {  	[smem:$0x3FAE] =	sst s4  }
0xd: {  	[smem:$0x3FAF] =	sst s5  }
0xe: {  	[smem:$0x3FB0] =	sst s6  }
0xf: {  	[smem:$0x3FB1] =	sst s7  }
0x10: {  	[smem:$0x3FB2] =	sst s8  }
0x11: {  	[smem:$0x3FB3] =	sst s9;
	s0 =	simm.s32 @!p0 $0x0  }
0x12: {  	s1 =	sld [smem:$0x3F99];
	s0 =	simm.s32 @p0 $0x1  }
0x13: {  	[smem:$0x3FB4] =	sst s0;
	s0 =	simm.s32 @!p1 $0x0  }
0x14: {  	s2 =	sld [smem:$0x3F98];
	s0 =	simm.s32 @p1 $0x1  }
0x15: {  	[smem:$0x3FB5] =	sst s0;
	s0 =	simm.s32 @!p2 $0x0  }
0x16: {  	s3 =	sld [smem:$0x3FDB];
	s0 =	simm.s32 @p2 $0x1  }
0x17: {  	s4 =	simm.s32 $0x1BF5;
	[smem:$0x3FB7] =	sst s0  }
0x18: {  	s0 =	sld [smem:$0x3F9A];
	_ =	swait.ge [sflag:s4], $0x0  }
0x19: {  	s7 =	sld [smem:$0x3F9B]  }
0x1a: {  	s8 =	sadd.s32 $0xFFFFE003, lr  }
0x1b: {  	s9 =	sadd.s32 $0xFFFFFEF7, lr;
	s5 =	simm.s32 $0xFFFFFFFF;
	p2 =	slt.u32 s8, $0xFFFFF086  }
0x1c: {  	p1 =	slt.u32 s9, $0xF7A;
	s5 =	simm.s32 @!p2 $0x0  }
0x1d: {  	s5 =	simm.s32 @p1 $0x1;
	p0 =	seq.s32 s7, s2  }
0x1e: {  	s7 =	smul.u32 @!p0 $0xF7A, s2;
	p2 =	seq.s32 @!p0 s5, $0x0  }
0x1f: {  	s9 =	smul.u32 $0xF7A, s1;
	s8 =	simm.s32 @!p0 $0x1BF5;
	p2 =	por !p2, p0  }
0x20: {  	[sflag:s8] =	ssyncset.s32 @!p0 $0xFFFFF086;
	s6 =	sadd.s32 @!p0 s3, s7;
	s7 =	simm.s32 @!p0 $0x108  }
0x21: {  	s3 =	sadd.s32 s3, s9;
	s6 =	sadd.s32 @!p0 $0x88, s6;
	s7 =	simm.s32 @p2 $0x1082  }
0x22: {  	[simem:s7], [sflag:s8] =	dma.local @!p0 [hbm:s6], $0xF7A  }
0x23: {  	s9 =	sor.u32 $0xD0000000, s2;
	s6 =	simm.s32 $0x108;
	_ =	swait.ge @!p0 [sflag:s8], $0x0  }
0x24: {  	s3 =	sadd.s32 $0x88, s3;
	s6 =	simm.s32 @!p1 $0x1082;
	[sflag:s4] =	ssyncset.s32 $0xFFFFF086  }
0x25: {  	[simem:s6], [sflag:s4] =	dma.local [hbm:s3], $0xF7A  }
0x26: {  	[smem:$0x3F9B] =	sst s1;
	(tag) =	ssettag s2;
	_ =	strace s9  }
0x27: {  	s1 =	sld [smem:$0x3FAB]  }
0x28: {  	s2 =	sld [smem:$0x3FAC]  }
0x29: {  	s4 =	sld [smem:$0x3FAE]  }
0x2a: {  	p0 =	seq.s32 s5, $0x0;
	s5 =	sld [smem:$0x3FAF]  }
0x2b: {  	s6 =	sld [smem:$0x3FB0]  }
0x2c: {  	s7 =	sld [smem:$0x3FB1]  }
0x2d: {  	s3 =	simm.s32 $0x108;
	s8 =	sld [smem:$0x3FB2]  }
0x2e: {  	s3 =	simm.s32 @!p0 $0x1082;
	s9 =	sld [smem:$0x3FB3]  }
0x2f: {  	lr =	sadd.s32 s0, s3;
	s0 =	sld [smem:$0x3FAA]  }
0x30: {  	s3 =	sld [smem:$0x3FAD]  }
0x31: {  	[smem:$0x3FB6] =	sst s10  }
0x32: {  	s10 =	sld [smem:$0x3FB4];
	_ =	sdelay $0x3  }
0x33: {  	p0 =	seq.s32 s10, $0x1;
	s10 =	sld [smem:$0x3FB6];
	_ =	sdelay $0x3  }
0x34: {  	[smem:$0x3FB6] =	sst s10  }
0x35: {  	s10 =	sld [smem:$0x3FB5];
	_ =	sdelay $0x3  }
0x36: {  	p1 =	seq.s32 s10, $0x1;
	s10 =	sld [smem:$0x3FB6];
	_ =	sdelay $0x3  }
0x37: {  	[smem:$0x3FB6] =	sst s10  }
0x38: {  	s10 =	sld [smem:$0x3FB7]  }
0x39: {  	_ = 	snop;
	(pc) =	sbr.ind lr, $3  }
0x3a: {  	_ = 	snop  }
0x3b: {  	_ = 	snop  }
0x3c: {  	p2 =	seq.s32 s10, $0x1;
	s10 =	sld [smem:$0x3FB6]  }
0x3d: {  	_ =	shalt  }
0x3e: {  	_ =	shalt  }
0x3f: {  	_ =	shalt  }
0x40: {  	_ =	shalt  }
0x41: {  	_ =	shalt  }
0x42: {  	_ =	shalt  }
0x43: {  	_ =	shalt  }
0x44: {  	_ =	shalt  }
0x45: {  	_ =	shalt  }
0x46: {  	_ =	shalt  }
0x47: {  	_ =	shalt  }
0x48: {  	_ =	shalt  }
0x49: {  	_ =	shalt  }
0x4a: {  	_ =	shalt  }
0x4b: {  	_ =	shalt  }
0x4c: {  	_ =	shalt  }
0x4d: {  	_ =	shalt  }
0x4e: {  	_ =	shalt  }
0x4f: {  	_ =	shalt  }
0x50: {  	_ =	shalt  }
0x51: {  	_ =	shalt  }
0x52: {  	_ =	shalt  }
0x53: {  	_ =	shalt  }
0x54: {  	_ =	shalt  }
0x55: {  	_ =	shalt  }
0x56: {  	_ =	shalt  }
0x57: {  	_ =	shalt  }
0x58: {  	_ =	shalt  }
0x59: {  	_ =	shalt  }
0x5a: {  	_ =	shalt  }
0x5b: {  	_ =	shalt  }
0x5c: {  	_ =	shalt  }
0x5d: {  	_ =	shalt  }
0x5e: {  	_ =	shalt  }
0x5f: {  	_ =	shalt  }
0x60: {  	_ =	shalt  }
0x61: {  	_ =	shalt  }
0x62: {  	_ =	shalt  }
0x63: {  	_ =	shalt  }
0x64: {  	_ =	shalt  }
0x65: {  	_ =	shalt  }
0x66: {  	_ =	shalt  }
0x67: {  	_ =	shalt  }
0x68: {  	_ =	shalt  }
0x69: {  	_ =	shalt  }
0x6a: {  	_ =	shalt  }
0x6b: {  	_ =	shalt  }
0x6c: {  	_ =	shalt  }
0x6d: {  	_ =	shalt  }
0x6e: {  	_ =	shalt  }
0x6f: {  	_ =	shalt  }
0x70: {  	_ =	shalt  }
0x71: {  	_ =	shalt  }
0x72: {  	_ =	shalt  }
0x73: {  	_ =	shalt  }
0x74: {  	_ =	shalt  }
0x75: {  	_ =	shalt  }
0x76: {  	_ =	shalt  }
0x77: {  	_ =	shalt  }
0x78: {  	_ =	shalt  }
0x79: {  	_ =	shalt  }
0x7a: {  	_ =	shalt  }
0x7b: {  	_ =	shalt  }
0x7c: {  	_ =	shalt  }
0x7d: {  	_ =	shalt  }
0x7e: {  	_ =	shalt  }
0x7f: {  	_ =	shalt  }
0x80: {  	_ =	shalt  }
0x81: {  	_ =	shalt  }
0x82: {  	_ =	shalt  }
0x83: {  	_ =	shalt  }
0x84: {  	_ =	shalt  }
0x85: {  	_ =	shalt  }
0x86: {  	_ =	shalt  }
0x87: {  	_ =	shalt  }
.Lfunc_end0:
.L_simem_size_0:
called_computation_lowered:
.L_overlay_start_0:
0x88: {  	s2 =	sld [smem:$0x3FD9]  }
0x89: {  	s3 =	sld [smem:$0x3FFE];
	_ =	sdelay $0x1  }
0x8a: {  	s1 =	srdreg.scid  }
0x8b: {  	s0 =	sand.u32 $0x1, s1  }
0x8c: {  	s18 =	sshll.u32 s0, $0xA;
	s2 =	sadd.s32 s3, s2  }
0x8d: {  	s2 =	sadd.s32 s2, s18  }
0x8e: {  	[smem:$0x3FC2] =	sst s2  }
0x8f: {  	_ = 	snop  }
0x90: {  	s2 =	sld [smem:$0x3FC9]  }
0x91: {  	s19 =	sld [smem:$0x3FC8]  }
0x92: {  	s4 =	sld [smem:$0x3FC7]  }
0x93: {  	s5 =	sld [smem:$0x3FC6]  }
0x94: {  	s6 =	sld [smem:$0x3FC5]  }
0x95: {  	s7 =	sld [smem:$0x3FC4]  }
0x96: {  	s8 =	sld [smem:$0x3FD0];
	(tm) =	ssettm $0x1  }
0x97: {  	s9 =	sld [smem:$0x3FFB];
	_ =	sdelay $0x3  }
0x98: {  	_ =	strace s9  }
0x99: {  	s9 =	sld [smem:$0x3FFC];
	_ =	sdelay $0x3  }
0x9a: {  	_ =	strace s9  }
0x9b: {  	s9 =	sld [smem:$0x3FFD];
	_ =	sdelay $0x3  }
0x9c: {  	_ =	strace s9  }
0x9d: {  	_ =	strace $0x8FFFFFFF  }
0x9e: {  	s20 =	sld [smem:$0x3FDB];
	_ =	sdelay $0x1  }
0x9f: {  	s10 =	simm.s32 $_scs_section_size  }
0xa0: {  	s11 =	simm.s32 $_size__tile_overlayer_lowered;
	s12 =	simm.s32 $_tile_overlayer_lowered  }
0xa1: {  	s23 =	simm.s32 $0x1BFF;
	s22 =	sshll.u32 s12, $0x1;
	s9 =	sadd.s32 s10, s20  }
0xa2: {  	s13 =	simm.s32 $0x0;
	s21 =	sshll.u32 s11, $0x1;
	s11 =	sadd.s32 s22, s9  }
0xa3: {  	[timem:s13], [sflag:s23] =	dma.local [hbm:s11], s21  }
0xa4: {  	_ =	swait.ge [sflag:s23], s21  }
0xa5: {  	s10 =	ssub.s32 $0x0, s21;
	[sflag:s23] =	ssyncset.done $0x0  }
0xa6: {  	[sflag:s23] =	ssyncadd.s32 s10;
	_ =	sdelay $0x1  }
0xa7: {  	s24 =	simm.s32 $0x1B8B  }
0xa8: {  	_ =	swait.ge [sflag:s24], $0x1  }
0xa9: {  	[sflag:s24] =	ssyncset.done $0x0  }
0xaa: {  	s25 =	simm.s32 $0x1B8E;
	[sflag:s24] =	ssyncadd.s32 $0xFFFFFFFF  }
0xab: {  	s26 =	simm.s32 $execute0_lowered;
	[smem:$0x3FD2] =	sst s25  }
0xac: {  	s10 =	sshll.u32 s26, $0x1;
	_ =	strace $0x80000046;
	[dreg:$0x1] =	wrdreg $0xFFFFFFFF  }
0xad: {  	s28 =	simm.s32 $_size_execute0_lowered;
	s9 =	sadd.s32 s9, s10;
	[dreg:$0x0] =	wrdreg $0x0  }
0xae: {  	s10 =	sshll.u32 s28, $0x1;
	[dreg:$0x2] =	wrdreg s9  }
0xaf: {  	[dreg:$0x3] =	wrdreg s10  }
0xb0: {  	[dreg:$0x4] =	wrdreg $0xC0  }
0xb1: {  	_ =	task [dreg:s13], $0x5FFFF  }
0xb2: {  	[dreg:$0x1] =	wrdreg $0xFFFFFFFF  }
0xb3: {  	[dreg:$0x0] =	wrdreg $0x60  }
0xb4: {  	[dreg:$0x2] =	wrdreg s2  }
0xb5: {  	[dreg:$0x3] =	wrdreg s19  }
0xb6: {  	[dreg:$0x4] =	wrdreg s4  }
0xb7: {  	[dreg:$0x5] =	wrdreg s5  }
0xb8: {  	[dreg:$0x6] =	wrdreg s6  }
0xb9: {  	[dreg:$0x7] =	wrdreg s7  }
0xba: {  	[dreg:$0x8] =	wrdreg s8  }
0xbb: {  	[dreg:$0x9] =	wrdreg $0x9  }
0xbc: {  	_ =	task.clear_ibuf [dreg:s13], $0xAFFFF;
	_ =	strace $0x90000046  }
0xbd: {  	s29 =	simm.s32 $0x9;
	_ =	strace $0x80000048  }
0xbe: {  	_ =	swait.ge [sflag:s29], $0x1  }
0xbf: {  	[sflag:s29] =	ssyncadd.s32 $0xFFFFFFFF  }
0xc0: {  	_ =	strace $0x90000048  }
0xc1: {  	_ =	sfence  }
0xc2: {  	s30 =	sld [smem:$0x0];
	_ =	sdelay $0x2  }
0xc3: {  	s31 =	sshll.u32 s1, $0xD;
	s1 =	sshrl.u32 s1, $0x2  }
0xc4: {  	s3 =	sand.u32 $0x4000, s31;
	s1 =	sadd.s32 s1, s30  }
0xc5: {  	s0 =	sor.u32 s3, s0;
	s1 =	sshll.u32 s1, $0x11  }
0xc6: {  	s0 =	sor.u32 s1, s0  }
0xc7: {  	s0 =	sadd.s32 $0x8F2B, s0  }
0xc8: {  	[sflag:s0] =	ssyncadd.remote.s32 $0x1  }
0xc9: {  	_ =	sfence.sel $0xFFFF  }
0xca: {  	[dreg:$0x0] =	wrdreg $0xFFFFFFFF;
	(pc) =	sbr.abs _section_cstart, $3  }
0xcb: {  	[dreg:$0x1] =	wrdreg $0xFFFFFFFF  }
0xcc: {  	_ =	task.clear_ibuf [dreg:s13], $0x2FFFF;
	_ =	strace $0x9FFFFFFF  }
0xcd: {  	(tm) =	ssettm $0x7FFFFFFF  }
tec
execute0_lowered:
.L_overlay_start_1:
0x0: {  	(tag) =	ssettag $0x1  }
0x1: {  	s6 =	rddreg [dreg:$0x0]  }
0x2: {  	s7 =	rddreg [dreg:$0x1]  }
0x3: {  	s1 =	rddreg [dreg:$0x2]  }
0x4: {  	s8 =	rddreg [dreg:$0x3]  }
0x5: {  	s2 =	rddreg [dreg:$0x4]  }
0x6: {  	s3 =	rddreg [dreg:$0x5]  }
0x7: {  	s9 =	rddreg [dreg:$0x6]  }
0x8: {  	s0 =	rddreg [dreg:$0x7];
	s10 =	srdreg.scid  }
0x9: {  	s5 =	simm.s32 $0x0;
	s4 =	stileid.u32;
	s14 =	simm.s32 $0x10200  }
0xa: {  	s15 =	simm.s32 $0x8200;
	s16 =	simm.s32 $0x18200;
	s17 =	simm.s32 $0x1  }
0xb: {  	s18 =	simm.s32 $0x0;
	s10 =	sand.u32 $0x1, s10;
	[smem:$0x7FF] =	sst s5  }
0xc: {  	s11 =	sshll.u32 s4, $0x9;
	s12 =	sshll.u32 s10, $0x8;
	s10 =	ssub.s32 $0x2, s10  }
0xd: {  	_ =	strace $0x80000047;
	s11 =	sor.u32 s12, s11;
	s30 =	sshrl.u32 s10, $0x1  }
0xe: {  	s12 =	simm.s32 $0x100;
	s13 =	sshrl.u32 s11, $0x3;
	s11 =	sshll.u32 s11, $0x4  }
0xf: {  	s10 =	ssub.s32 s10, s30;
	s6 =	sadd.s32 s6, s13;
	s31 =	sand.u32 $0x7000, s11  }
0x10: {  	s7 =	sadd.s32 s7, s13;
	s9 =	sadd.s32 s9, s11;
	s10 =	smax.u32 s10, $0x1  }
0x11: {  	s11 =	simm.s32 $0x2;
	s13 =	simm.s32 $0x200;
	s8 =	sadd.s32 s8, s31  }
.LBB2_1:
0x12: {  	[tilespmem:s5], [sflag:$0x2] =	stream.linear.gather [hbm4b:s6+s5], $0x100, $0x38;
	[tilespmem:$0x18300] =	vst v63  }
0x13: {  	_ =	swait.ge [sflag:s11], $0x100  }
0x14: {  	[sflag:s11] =	ssyncset.done $0x0  }
0x15: {  	[sflag:s11] =	ssyncadd.s32 $0xFFFFFF00  }
0x16: {  	[tilespmem:s12], [sflag:$0x2] =	stream.linear.gather [hbm4b:s7+s5], $0x100, $0x38;
	[tilespmem:$0x18300] =	vst v63  }
0x17: {  	_ =	swait.ge [sflag:s11], $0x100  }
0x18: {  	[sflag:s11] =	ssyncset.done $0x0  }
0x19: {  	[sflag:s11] =	ssyncadd.s32 $0xFFFFFF00  }
0x1a: {  	[tilespmem:s13], [sflag:$0x1] =	stream.indirect.gather [hbm4b:s1+s12], $0x80, s5, s12, $0xb8;
	[tilespmem:$0x18300] =	vst v63  }
0x1b: {  	_ = 	snop  }
0x1c: {  	[tilespmem:s14], [sflag:$0x1] =	stream.indirect.gather [hbm4b:s2+s12], $0x80, s12, s12, $0xb8;
	[tilespmem:$0x18300] =	vst v63  }
0x1d: {  	_ = 	snop  }
0x1e: {  	[tilespmem:s15], [sflag:$0x2] =	stream.linear.gather [hbm4b:s8+s5], $0x8000, $0x38;
	[tilespmem:$0x18300] =	vst v63  }
0x1f: {  	_ =	swait.ge [sflag:s11], $0x8000  }
0x20: {  	[sflag:s11] =	ssyncset.done $0x0  }
0x21: {  	[sflag:s11] =	ssyncadd.s32 $0xFFFF8000  }
0x22: {  	[tilespmem:s16], [sflag:$0x2] =	stream.linear.gather [hbm4b:s3+s5], $0x100, $0x38;
	[tilespmem:$0x18300] =	vst v63  }
0x23: {  	_ =	swait.ge [sflag:s11], $0x100  }
0x24: {  	[sflag:s11] =	ssyncset.done $0x0  }
0x25: {  	[sflag:s11] =	ssyncadd.s32 $0xFFFFFF00  }
0x26: {  	_ =	swait.ge [sflag:s17], $0x8000  }
0x27: {  	[sflag:s17] =	ssyncset.done $0x0  }
0x28: {  	[sflag:s17] =	ssyncadd.s32 $0xFFFF8000  }
0x29: {  	_ =	swait.ge [sflag:s17], $0x8000  }
0x2a: {  	[sflag:s17] =	ssyncset.done $0x0  }
0x2b: {  	s19 =	simm.s32 $0x0;
	[sflag:s17] =	ssyncadd.s32 $0xFFFF8000  }
0x2c: {  	v0 =	vld [tilespmem:s19+$0x8230]  }
0x2d: {  	v1 =	vld [tilespmem:s19+$0x10210]  }
0x2e: {  	v2 =	vld [tilespmem:s19+$0x8210]  }
0x2f: {  	v3 =	vld [tilespmem:s19+$0x8200]  }
0x30: {  	v4 =	vld [tilespmem:s19+$0x8240]  }
0x31: {  	v5 =	vld [tilespmem:s19+$0x10220]  }
0x32: {  	v6 =	vld [tilespmem:s19+$0x8220]  }
0x33: {  	v7 =	vld [tilespmem:s19+$0x200]  }
0x34: {  	v8 =	vld [tilespmem:s19+$0x210]  }
0x35: {  	v9 =	vld [tilespmem:s19+$0x220]  }
0x36: {  	v10 =	vld [tilespmem:s19+$0x10200]  }
0x37: {  	v13 =	vld [tilespmem:s19+$0x240]  }
0x38: {  	v11 =	vld [tilespmem:s19+$0x230]  }
0x39: {  	v12 =	vld [tilespmem:s19+$0x10230]  }
0x3a: {  	v3 =	vadd.f32 v3, v7;
	v7 =	vld [tilespmem:s19+$0x10240]  }
0x3b: {  	v2 =	vadd.f32 v2, v8;
	v8 =	vld [tilespmem:s19+$0x250]  }
0x3c: {  	v6 =	vadd.f32 v6, v9;
	v4 =	vadd.f32 v4, v13;
	v13 =	vld [tilespmem:s19+$0x8260]  }
0x3d: {  	v9 =	vadd.f32 v10, v3;
	v10 =	vadd.f32 v1, v2;
	v1 =	vld [tilespmem:s19+$0x8250]  }
0x3e: {  	v0 =	vadd.f32 v0, v11;
	v16 =	vadd.f32 v5, v6;
	v2 =	vld [tilespmem:s19+$0x10250]  }
0x3f: {  	v5 =	vld [tilespmem:s19+$0x260];
	v3 =	vadd.f32 v10, v9;
	v6 =	vmul.f32 v9, v9;
	v11 =	vmul.f32 v10, v10  }
0x40: {  	v17 =	vadd.f32 v12, v0;
	v18 =	vadd.f32 v7, v4;
	v7 =	vld [tilespmem:s19+$0x8270]  }
0x41: {  	v12 =	vmul.f32 v16, v16;
	v0 =	vadd.f32 v16, v3;
	v3 =	vld [tilespmem:s19+$0x10260];
	v4 =	vadd.f32 v11, v6  }
0x42: {  	v6 =	vld [tilespmem:s19+$0x270];
	v1 =	vadd.f32 v1, v8  }
0x43: {  	v0 =	vadd.f32 v17, v0;
	v4 =	vadd.f32 v12, v4  }
0x44: {  	v8 =	vmul.f32 v17, v17;
	v11 =	vadd.f32 v2, v1;
	v1 =	vld [tilespmem:s19+$0x10270];
	v2 =	vadd.f32 v13, v5  }
0x45: {  	v0 =	vadd.f32 v18, v0  }
0x46: {  	v5 =	vmul.f32 v18, v18;
	v4 =	vadd.f32 v8, v4;
	v25 =	vadd.f32 v3, v2  }
0x47: {  	v2 =	vadd.f32 v7, v6;
	v0 =	vadd.f32 v11, v0  }
0x48: {  	v3 =	vmul.f32 v11, v11;
	v4 =	vadd.f32 v5, v4  }
0x49: {  	v0 =	vadd.f32 v25, v0;
	v26 =	vadd.f32 v1, v2  }
0x4a: {  	v1 =	vadd.f32 v3, v4;
	v2 =	vmul.f32 v25, v25  }
0x4b: {  	v0 =	vadd.f32 v26, v0  }
0x4c: {  	v1 =	vadd.f32 v2, v1;
	v2 =	vmul.f32 v26, v26  }
0x4d: {  	(xrf2) =	vadd.scan.msk.f32 $0xffff, v0  }
0x4e: {  	v0 =	vadd.f32 v2, v1;
	_ =	sdelay $0x1  }
0x4f: {  	(xrf2) =	vadd.scan.msk.f32 $0xffff, v0;
	_ =	sdelay $0x6  }
0x50: {  	v0, _, _ =	vpop (xrf2)  }
0x51: {  	(v2sf) =	vpush v0, $0xF;
	_ =	sdelay $0x1  }
0x52: {  	v0, _, _ =	vpop (xrf2)  }
0x53: {  	(v2sf) =	vpush v0, $0xF;
	_ =	sdelay $0xb  }
0x54: {  	s20 =	spop (v2sf)  }
0x55: {  	s20 =	smul.f32 $7.812500000e-03, s20;
	_ =	sdelay $0x1  }
0x56: {  	s22 =	spop (v2sf);
	s21 =	smul.f32 s20, s20  }
0x57: {  	s22 =	smul.f32 $7.812500000e-03, s22;
	_ =	sdelay $0x1  }
0x58: {  	s21 =	ssub.f32 s22, s21;
	_ =	sdelay $0x1  }
0x59: {  	s21 =	sadd.f32 $9.999999740e-06, s21;
	_ =	sdelay $0x1  }
0x5a: {  	v0 =	vmov s21  }
0x5b: {  	v1 =	vshra.s32 v0, $0x1;
	v24 =	vmul.f32 $5.000000000e-01, v0  }
0x5c: {  	v15 =	vld [tilespmem:$0x18280];
	v8 =	vsub.s32 $0x5F3759DF, v1  }
0x5d: {  	v14 =	vld [tilespmem:$0x182A0];
	v0 =	vmul.f32 v8, v24  }
0x5e: {  	v13 =	vld [tilespmem:$0x18290]  }
0x5f: {  	v6 =	vld [tilespmem:$0x18210];
	v0 =	vmul.f32 v8, v0  }
0x60: {  	v7 =	vld [tilespmem:$0x18220]  }
0x61: {  	v5 =	vld [tilespmem:$0x18200];
	v12 =	vsub.f32 $1.500000000e+00, v0  }
0x62: {  	v4 =	vld [tilespmem:$0x18230]  }
0x63: {  	v3 =	vld [tilespmem:$0x18240];
	v27 =	vmul.f32 v8, v12  }
0x64: {  	v2 =	vld [tilespmem:$0x18250];
	v28 =	vmov s20  }
0x65: {  	v20 =	vsub.f32 v9, v28;
	v9 =	vld [tilespmem:$0x182D0];
	v8 =	vmul.f32 v27, v24  }
0x66: {  	v21 =	vsub.f32 v10, v28;
	v10 =	vld [tilespmem:$0x182E0]  }
0x67: {  	v1 =	vld [tilespmem:$0x18260];
	v19 =	vmul.f32 v8, v27  }
0x68: {  	v22 =	vsub.f32 v16, v28;
	v0 =	vld [tilespmem:$0x18270]  }
0x69: {  	v23 =	vsub.f32 v17, v28;
	v12 =	vld [tilespmem:$0x182B0];
	v29 =	vsub.f32 $1.500000000e+00, v19  }
0x6a: {  	v17 =	vsub.f32 v25, v28;
	v16 =	vsub.f32 v26, v28;
	v8 =	vld [tilespmem:$0x182C0]  }
0x6b: {  	s20 =	simm.s32 $0x200;
	v19 =	vsub.f32 v18, v28;
	v18 =	vsub.f32 v11, v28;
	v11 =	vld [tilespmem:$0x182F0];
	v25 =	vmul.f32 v29, v27  }
.LBB2_2:
0x6c: {  	p0 =	sne.s32 s20, $0x1FE00;
	s21 =	smov.u32 s20;
	s20 =	sadd.s32 $0x200, s20  }
0x6d: {  	v24 =	vmul.f32 v25, v24;
	_ =	sdelay $0x1  }
0x6e: {  	v24 =	vmul.f32 v24, v25  }
0x6f: {  	s21 =	sshra.s32 s21, $0x2  }
0x70: {  	v26 =	vld [tilespmem:s21+$0x8230];
	v24 =	vsub.f32 $1.500000000e+00, v24  }
0x71: {  	v27 =	vld [tilespmem:s21+$0x10210]  }
0x72: {  	v28 =	vld [tilespmem:s21+$0x8210];
	v24 =	vmul.f32 v24, v25  }
0x73: {  	v25 =	vld [tilespmem:s21+$0x8200]  }
0x74: {  	v20 =	vmul.f32 v24, v20;
	v21 =	vmul.f32 v24, v21  }
0x75: {  	v22 =	vmul.f32 v24, v22;
	v23 =	vmul.f32 v24, v23  }
0x76: {  	v20 =	vmul.f32 v20, v5;
	v21 =	vmul.f32 v21, v6  }
0x77: {  	v22 =	vmul.f32 v22, v7;
	v23 =	vmul.f32 v23, v4  }
0x78: {  	v19 =	vmul.f32 v24, v19;
	v29 =	vld [tilespmem:s21+$0x8240];
	v20 =	vadd.f32 v20, v15;
	v21 =	vadd.f32 v21, v13  }
0x79: {  	v18 =	vmul.f32 v24, v18;
	v22 =	vadd.f32 v22, v14;
	v23 =	vadd.f32 v23, v12;
	v30 =	vld [tilespmem:s21+$0x10220]  }
0x7a: {  	v17 =	vmul.f32 v24, v17;
	v19 =	vmul.f32 v19, v3;
	v31 =	vld [tilespmem:s21+$0x8220];
	[tilespmem:s19+$0x200] =	vst v20  }
0x7b: {  	v16 =	vmul.f32 v24, v16;
	v18 =	vmul.f32 v18, v2;
	v20 =	vld [tilespmem:s21+$0x200];
	[tilespmem:s19+$0x210] =	vst v21  }
0x7c: {  	v17 =	vmul.f32 v17, v1;
	v19 =	vadd.f32 v19, v8;
	v21 =	vld [tilespmem:s21+$0x210];
	[tilespmem:s19+$0x220] =	vst v22  }
0x7d: {  	v16 =	vmul.f32 v16, v0;
	v18 =	vadd.f32 v18, v9;
	v22 =	vld [tilespmem:s21+$0x220];
	[tilespmem:s19+$0x230] =	vst v23  }
0x7e: {  	v17 =	vadd.f32 v17, v10;
	v23 =	vld [tilespmem:s21+$0x10200];
	[tilespmem:s19+$0x240] =	vst v19  }
0x7f: {  	v16 =	vadd.f32 v16, v11;
	v19 =	vld [tilespmem:s21+$0x230];
	[tilespmem:s19+$0x250] =	vst v18  }
0x80: {  	v18 =	vadd.f32 v25, v20;
	v20 =	vld [tilespmem:s21+$0x10230];
	[tilespmem:s19+$0x260] =	vst v17  }
0x81: {  	v17 =	vadd.f32 v28, v21;
	v21 =	vld [tilespmem:s21+$0x240];
	[tilespmem:s19+$0x270] =	vst v16;
	s19 =	smov.u32 s21  }
0x82: {  	v16 =	vadd.f32 v31, v22;
	v22 =	vld [tilespmem:s19+$0x10240]  }
0x83: {  	v18 =	vadd.f32 v23, v18;
	v17 =	vadd.f32 v27, v17;
	v23 =	vld [tilespmem:s19+$0x250]  }
0x84: {  	v16 =	vadd.f32 v30, v16;
	v19 =	vadd.f32 v26, v19;
	v24 =	vld [tilespmem:s19+$0x8250]  }
0x85: {  	v25 =	vld [tilespmem:s19+$0x10250];
	v26 =	vmul.f32 v18, v18;
	v27 =	vadd.f32 v17, v18;
	v28 =	vmul.f32 v17, v17  }
0x86: {  	v19 =	vadd.f32 v20, v19;
	v20 =	vadd.f32 v29, v21;
	v21 =	vld [tilespmem:s19+$0x260];
	v29 =	vmul.f32 v16, v16  }
0x87: {  	v30 =	vld [tilespmem:s19+$0x8260];
	v27 =	vadd.f32 v16, v27  }
0x88: {  	v31 =	vadd.f32 v22, v20;
	v20 =	vld [tilespmem:s19+$0x10260];
	v22 =	vadd.f32 v28, v26  }
0x89: {  	v23 =	vadd.f32 v24, v23;
	v24 =	vld [tilespmem:s19+$0x270];
	v26 =	vadd.f32 v19, v27;
	v27 =	vmul.f32 v19, v19  }
0x8a: {  	v28 =	vld [tilespmem:s19+$0x8270];
	v22 =	vadd.f32 v29, v22;
	v29 =	vmul.f32 v31, v31  }
0x8b: {  	v25 =	vadd.f32 v25, v23;
	v23 =	vadd.f32 v31, v26  }
0x8c: {  	v21 =	vadd.f32 v30, v21;
	v26 =	vld [tilespmem:s19+$0x10270];
	v22 =	vadd.f32 v27, v22  }
0x8d: {  	v23 =	vadd.f32 v25, v23;
	v27 =	vmul.f32 v25, v25  }
0x8e: {  	v30 =	vadd.f32 v20, v21;
	v20 =	vadd.f32 v29, v22  }
0x8f: {  	v21 =	vadd.f32 v28, v24  }
0x90: {  	v20 =	vadd.f32 v27, v20;
	v22 =	vadd.f32 v30, v23;
	v23 =	vmul.f32 v30, v30  }
0x91: {  	v24 =	vadd.f32 v26, v21  }
0x92: {  	v20 =	vadd.f32 v23, v20  }
0x93: {  	v21 =	vadd.f32 v24, v22;
	v22 =	vmul.f32 v24, v24;
	_ =	sdelay $0x1  }
0x94: {  	v20 =	vadd.f32 v22, v20;
	(xrf2) =	vadd.scan.msk.f32 $0xffff, v21;
	_ =	sdelay $0x2  }
0x95: {  	(xrf2) =	vadd.scan.msk.f32 $0xffff, v20;
	_ =	sdelay $0x6  }
0x96: {  	v20, _, _ =	vpop (xrf2)  }
0x97: {  	(v2sf) =	vpush v20, $0xF;
	_ =	sdelay $0x1  }
0x98: {  	v20, _, _ =	vpop (xrf2)  }
0x99: {  	(v2sf) =	vpush v20, $0xF;
	_ =	sdelay $0xb  }
0x9a: {  	s21 =	spop (v2sf)  }
0x9b: {  	s21 =	smul.f32 $7.812500000e-03, s21;
	_ =	sdelay $0x1  }
0x9c: {  	s22 =	smul.f32 s21, s21;
	v26 =	vmov s21;
	s21 =	spop (v2sf)  }
0x9d: {  	s21 =	smul.f32 $7.812500000e-03, s21;
	v20 =	vsub.f32 v18, v26;
	v21 =	vsub.f32 v17, v26  }
0x9e: {  	v22 =	vsub.f32 v16, v26;
	v23 =	vsub.f32 v19, v26  }
0x9f: {  	v19 =	vsub.f32 v31, v26;
	v18 =	vsub.f32 v25, v26;
	s21 =	ssub.f32 s21, s22  }
0xa0: {  	v17 =	vsub.f32 v30, v26;
	v16 =	vsub.f32 v24, v26  }
0xa1: {  	s21 =	sadd.f32 $9.999999740e-06, s21;
	_ =	sdelay $0x1  }
0xa2: {  	v24 =	vmov s21  }
0xa3: {  	v25 =	vshra.s32 v24, $0x1;
	v24 =	vmul.f32 $5.000000000e-01, v24  }
0xa4: {  	v25 =	vsub.s32 $0x5F3759DF, v25  }
0xa5: {  	v26 =	vmul.f32 v25, v24;
	_ =	sdelay $0x1  }
0xa6: {  	v26 =	vmul.f32 v25, v26;
	_ =	sdelay $0x1  }
0xa7: {  	v26 =	vsub.f32 $1.500000000e+00, v26;
	_ =	sdelay $0x1  }
0xa8: {  	v25 =	vmul.f32 v25, v26;
	_ =	sdelay $0x1  }
0xa9: {  	v26 =	vmul.f32 v25, v24;
	_ =	sdelay $0x1  }
.Ltmp0:
0xaa: {  	v26 =	vmul.f32 v26, v25;
	(pc) =	sbr.rel @p0 .LBB2_2-.Ltmp0, $3  }
0xab: {  	_ = 	snop  }
0xac: {  	v26 =	vsub.f32 $1.500000000e+00, v26;
	_ =	sdelay $0x1  }
0xad: {  	v25 =	vmul.f32 v26, v25  }
0xae: {  	_ = 	snop  }
0xaf: {  	v24 =	vmul.f32 v25, v24;
	_ =	sdelay $0x1  }
0xb0: {  	v24 =	vmul.f32 v24, v25;
	_ =	sdelay $0x1  }
0xb1: {  	v24 =	vsub.f32 $1.500000000e+00, v24;
	_ =	sdelay $0x1  }
0xb2: {  	v24 =	vmul.f32 v24, v25;
	_ =	sdelay $0x1  }
0xb3: {  	v20 =	vmul.f32 v24, v20  }
0xb4: {  	v21 =	vmul.f32 v24, v21  }
0xb5: {  	v22 =	vmul.f32 v24, v22;
	v5 =	vmul.f32 v20, v5  }
0xb6: {  	v59 =	vmul.f32 v24, v23;
	v6 =	vmul.f32 v21, v6  }
0xb7: {  	v60 =	vmul.f32 v24, v19;
	v7 =	vmul.f32 v22, v7;
	v5 =	vadd.f32 v5, v15  }
0xb8: {  	v61 =	vmul.f32 v24, v18;
	v4 =	vmul.f32 v59, v4;
	v6 =	vadd.f32 v6, v13  }
0xb9: {  	v62 =	vmul.f32 v24, v17;
	v3 =	vmul.f32 v60, v3;
	v7 =	vadd.f32 v7, v14;
	[tilespmem:s19+$0x200] =	vst v5  }
0xba: {  	v63 =	vmul.f32 v24, v16;
	v2 =	vmul.f32 v61, v2;
	v4 =	vadd.f32 v4, v12;
	[tilespmem:s19+$0x210] =	vst v6  }
0xbb: {  	v1 =	vmul.f32 v62, v1;
	v3 =	vadd.f32 v3, v8;
	[tilespmem:s19+$0x220] =	vst v7  }
0xbc: {  	v0 =	vmul.f32 v63, v0;
	v2 =	vadd.f32 v2, v9;
	[tilespmem:s19+$0x230] =	vst v4  }
0xbd: {  	v1 =	vadd.f32 v1, v10;
	[tilespmem:s19+$0x240] =	vst v3  }
0xbe: {  	s18 =	sadd.s32 $0x1, s18;
	v0 =	vadd.f32 v0, v11;
	[tilespmem:s19+$0x250] =	vst v2  }
0xbf: {  	p0 =	sne.s32 s18, s10;
	[tilespmem:s19+$0x260] =	vst v1  }
.Ltmp1:
0xc0: {  	[tilespmem:s19+$0x270] =	vst v0;
	(pc) =	sbr.rel @p0 .LBB2_1-.Ltmp1, $4  }
0xc1: {  	[hbm4b:s9+s5] =	stream.linear.scatter [tilespmem:s13], [sflag:$0x2], $0x8000, $0x38;
	[tilespmem:$0x18300] =	vst v63  }
0xc2: {  	_ =	swait.ge [sflag:s11], $0x8000  }
0xc3: {  	[sflag:s11] =	ssyncset.done $0x0  }
0xc4: {  	[sflag:s11] =	ssyncadd.s32 $0xFFFF8000  }
0xc5: {  	_ =	sfence.sel $0x180000  }
0xc6: {  	[bflag:$0x0] =	sbarrier.arrive $0xFFFF  }
0xc7: {  	p0 =	sne.s32 s4, $0x0;
	_ =	strace $0x90000047  }
0xc8: {  	s0 =	sadd.s32 @!p0 $0x100000, s0;
	[bflag:$0x2] =	sbarrier.arrive $0xFFFF  }
0xc9: {  	[sflag:s0] =	ssyncadd.tile.s32 @!p0 $0x1;
	_ =	shalt  }
.Lfunc_end2:
_tile_overlayer_lowered:
.L_overlay_start_2:
0xca: {  	(tag) =	ssettag $0x2  }
0xcb: {  	s0 =	rddreg [dreg:$0x0];
	s2 =	stileid.u32  }
0xcc: {  	s1 =	rddreg [dreg:$0x1];
	p0 =	sne.s32 s2, $0x0  }
0xcd: {  	s3 =	rddreg [dreg:$0x2];
	[bflag:$0x3] =	sbarrier.arrive $0xFFFF;
	s2 =	simm.s32 @!p0 $0x1C02  }
0xce: {  	[timem:s3], [sflag:s2] =	dma.local @!p0 [hbm:s0], s1  }
0xcf: {  	s0 =	simm.s32 @!p0 $0x2  }
0xd0: {  	_ =	swait.ge @!p0 [sflag:s0], s1  }
0xd1: {  	s1 =	ssub.s32 @!p0 $0x0, s1;
	[sflag:s0] =	ssyncset.done @!p0 $0x0  }
0xd2: {  	[sflag:s0] =	ssyncadd.s32 @!p0 s1  }
0xd3: {  	[bflag:$0x3] =	sbarrier.arrive $0xFFFF  }
0xd4: {  	_ =	shalt  }

</sc_bundles>
